<compile_context>
chip_gen: v7x
topology: tpu7x:2x2x1
jax: 0.10.2.dev20260603
libtpu: 0.0.44.dev20260713+nightly
codegen_flags: <defaults>
</compile_context>

<pallas_src>
import functools

import jax
import jax.numpy as jnp
from jax import lax
from jax.experimental import pallas as pl
from jax.experimental.pallas import tpu as pltpu
from jax.experimental.pallas import tpu_sc as plsc

_NUM_CORES = 2
_NUM_SUBCORES = 16
_NUM_WORKERS = _NUM_CORES * _NUM_SUBCORES
_CHUNK = 128
_LANES = 128
_MAX_RES = 448


def _down_body(emb_ref, wd_ref, gate_ref, h_ref):
    g = jax.nn.sigmoid(gate_ref[0])
    t = emb_ref[...]
    h_pre = jnp.dot(t, wd_ref[...], preferred_element_type=jnp.float32)
    h = (h_pre * jax.nn.sigmoid(h_pre)) * g
    pad = jnp.zeros((h.shape[0], _LANES - h.shape[1]), jnp.float32)
    h_ref[...] = jnp.concatenate([h, pad], axis=1)


def _up_body(bneck, h_ref, wu_ref, out_ref):
    h = h_ref[...][:, :bneck]
    out_ref[...] = jnp.dot(h, wu_ref[...], preferred_element_type=jnp.float32)


def _split(total, piece):
    sizes = []
    while total > 0:
        sizes.append(min(piece, total))
        total -= sizes[-1]
    return sizes


def _make_gather(bneck_pad, n_tokens):
    b_per_w = n_tokens // _NUM_WORKERS
    pieces = _split(b_per_w, _MAX_RES)
    offs = [sum(pieces[:i]) for i in range(len(pieces))]
    slot_rows = min(_MAX_RES, b_per_w)
    mesh = plsc.VectorSubcoreMesh(
        core_axis_name="c", subcore_axis_name="s",
        num_cores=_NUM_CORES, num_subcores=_NUM_SUBCORES)

    @functools.partial(
        pl.kernel,
        out_type=jax.ShapeDtypeStruct((n_tokens, bneck_pad), jnp.float32),
        mesh=mesh,
        scratch_types=[
            pltpu.VMEM((b_per_w,), jnp.int32),
            [pltpu.VMEM((slot_rows, bneck_pad), jnp.float32)] * 2,
            [pltpu.SemaphoreType.DMA] * 2,
            [pltpu.SemaphoreType.DMA] * 2,
        ],
    )
    def gather_kernel(table_hbm, idx_hbm, out_hbm, idx_v, slots, sems_g,
                      sems_w):
        wid = lax.axis_index("s") * _NUM_CORES + lax.axis_index("c")
        base = wid * b_per_w
        pltpu.sync_copy(idx_hbm.at[pl.ds(base, b_per_w)], idx_v)

        def fire(i):
            descs = []
            for c, csz in enumerate(_split(pieces[i], _CHUNK)):
                off = offs[i] + c * _CHUNK
                descs.append(pltpu.async_copy(
                    table_hbm.at[idx_v.at[pl.ds(off, csz)]],
                    slots[i % 2].at[pl.ds(c * _CHUNK, csz)],
                    sems_g[i % 2]))
            return descs

        in_flight = {0: fire(0)}
        if len(pieces) > 1:
            in_flight[1] = fire(1)
        writebacks = {}
        for i in range(len(pieces)):
            for cp in in_flight.pop(i):
                cp.wait()
            writebacks[i] = pltpu.async_copy(
                slots[i % 2].at[pl.ds(0, pieces[i])],
                out_hbm.at[pl.ds(base + offs[i], pieces[i])],
                sems_w[i % 2])
            j = i + 2
            if j < len(pieces):
                writebacks.pop(i).wait()
                in_flight[j] = fire(j)
        for wb in writebacks.values():
            wb.wait()

    return gather_kernel


def kernel(teacher_emb, W_down, W_up, gate, token_ids):
    vocab, t_dim = teacher_emb.shape
    bneck = W_down.shape[0]
    m_dim = W_up.shape[0]
    b, s = token_ids.shape
    n_tokens = b * s

    wd_t = W_down.T
    wu_t = W_up.T

    vb = 4096
    h_table = pl.pallas_call(
        _down_body,
        grid=(pl.cdiv(vocab, vb),),
        in_specs=[
            pl.BlockSpec((vb, t_dim), lambda i: (i, 0)),
            pl.BlockSpec((t_dim, bneck), lambda i: (0, 0)),
            pl.BlockSpec(memory_space=pltpu.SMEM),
        ],
        out_specs=pl.BlockSpec((vb, _LANES), lambda i: (i, 0)),
        out_shape=jax.ShapeDtypeStruct((vocab, _LANES), jnp.float32),
    )(teacher_emb, wd_t, gate)

    ids_flat = token_ids.reshape(n_tokens)
    h_tok = _make_gather(_LANES, n_tokens)(h_table, ids_flat)

    tb = 2048
    out_flat = pl.pallas_call(
        functools.partial(_up_body, bneck),
        grid=(n_tokens // tb,),
        in_specs=[
            pl.BlockSpec((tb, _LANES), lambda i: (i, 0)),
            pl.BlockSpec((bneck, m_dim), lambda i: (0, 0)),
        ],
        out_specs=pl.BlockSpec((tb, m_dim), lambda i: (i, 0)),
        out_shape=jax.ShapeDtypeStruct((n_tokens, m_dim), jnp.float32),
    )(h_tok, wu_t)

    return out_flat.reshape(b, s, m_dim)

# --- scband reference (transcript-rebuilt; emitter-appended) ---
"""Pipeline reference for scband-teacher-adapter-34926674051194 (READ-ONLY COPY).

The authoritative reference and input builder live on the scoring server;
editing this copy changes nothing except your own understanding.
"""

import jax, jax.numpy as jnp
import numpy as np

VOCAB = 50257
TEACHER_DIM = 768
MODEL_DIM = 2048
BOTTLENECK = 64
B, S = 4, 8192


def setup_inputs(seed: int = 0) -> dict:
    key = jax.random.key(seed)
    k1, k2, k3, k4 = jax.random.split(key, 4)
    token_ids = jax.random.randint(k1, (B, S), 0, VOCAB, dtype=jnp.int64 if jax.config.jax_enable_x64 else jnp.int32).astype(jnp.int32)
    teacher_emb = jax.random.normal(k2, (VOCAB, TEACHER_DIM), dtype=jnp.float32) * 0.02
    W_down = jax.random.normal(k3, (BOTTLENECK, TEACHER_DIM), dtype=jnp.float32) * (1.0 / np.sqrt(TEACHER_DIM))
    # up projection is zero-initialized in the original module (_zero_init = True)
    W_up = jnp.zeros((MODEL_DIM, BOTTLENECK), dtype=jnp.float32)
    gate = jnp.zeros((1,), dtype=jnp.float32)
    return {"teacher_emb": teacher_emb, "W_down": W_down, "W_up": W_up, "gate": gate, "token_ids": token_ids}


def reference(teacher_emb, W_down, W_up, gate, token_ids):
    # t = self.teacher_emb(token_ids)  -> gather rows from frozen table
    t = jnp.take(teacher_emb, token_ids, axis=0)          # [B, S, teacher_dim]
    # h = F.silu(self.down(t))
    h_pre = t @ W_down.T                                   # [B, S, bottleneck]
    h = h_pre * jax.nn.sigmoid(h_pre)                      # silu
    # out = self.up(h)
    out = h @ W_up.T                                       # [B, S, model_dim]
    # torch.sigmoid(self.gate) * out
    return jax.nn.sigmoid(gate).astype(out.dtype) * out

if __name__ == "__main__":
    import jax
    _d = setup_inputs()
    print(jax.jit(kernel)(*tuple(_d.values())))

</pallas_src>

<mosaic_0001>
#map = affine_map<(d0, d1) -> (0, 0)>
#map1 = affine_map<(d0, d1) -> (0)>
module attributes {stable_mosaic.version = 14 : i64} {
  func.func @gather_kernel(%arg0: i32, %arg1: i32, %arg2: memref<50257x128xf32, #tpu.memory_space<hbm>>, %arg3: memref<32768xi32, #tpu.memory_space<hbm>>, %arg4: memref<32768x128xf32, #tpu.memory_space<hbm>>, %arg5: memref<1024xi32, #tpu.memory_space<vmem>>, %arg6: memref<448x128xf32, #tpu.memory_space<vmem>>, %arg7: memref<448x128xf32, #tpu.memory_space<vmem>>, %arg8: memref<!tpu.dma_semaphore, #tpu.memory_space<semaphore_mem>>, %arg9: memref<!tpu.dma_semaphore, #tpu.memory_space<semaphore_mem>>, %arg10: memref<!tpu.dma_semaphore, #tpu.memory_space<semaphore_mem>>, %arg11: memref<!tpu.dma_semaphore, #tpu.memory_space<semaphore_mem>>) attributes {dimension_semantics = [#tpu.dimension_semantics<core_parallel>, #tpu.dimension_semantics<subcore_parallel>], iteration_bounds = array<i64: 2, 16>, scalar_prefetch = 0 : i64, scratch_operands = 7 : i64, tpu.core_type = #tpu.core_type<sc_vector_subcore>, window_params = [{transform_indices = #map}, {transform_indices = #map1}, {transform_indices = #map}]} {
    %mul3A = arith.constant 2 : i32
    %mul3A_0 = arith.muli %arg1, %mul3A : i32
    %add3A = arith.addi %mul3A_0, %arg0 : i32
    %mul3A_1 = arith.constant 1024 : i32
    %mul3A_2 = arith.muli %add3A, %mul3A_1 : i32
    "tpu.region"() ({
      %run_scoped3A = tpu.sem_alloc : memref<!tpu.dma_semaphore, #tpu.memory_space<semaphore_mem>>
      %dma_start3A_211 = tpu.memref_slice %arg3[%mul3A_2] : memref<32768xi32, #tpu.memory_space<hbm>> -> memref<1024xi32, #tpu.memory_space<hbm>>
      %dma_start3A_212 = tpu.memref_slice %arg3[%mul3A_2] : memref<32768xi32, #tpu.memory_space<hbm>> -> memref<1024xi32, #tpu.memory_space<hbm>>
      tpu.enqueue_dma source(%dma_start3A_212 : memref<1024xi32, #tpu.memory_space<hbm>>) target(%arg5 : memref<1024xi32, #tpu.memory_space<vmem>>) target_semaphore(%run_scoped3A : memref<!tpu.dma_semaphore, #tpu.memory_space<semaphore_mem>>)
      %dma_wait3A_213 = tpu.memref_slice %arg3[%mul3A_2] : memref<32768xi32, #tpu.memory_space<hbm>> -> memref<1024xi32, #tpu.memory_space<hbm>>
      %dma_wait3A_214 = tpu.memref_slice %arg3[%mul3A_2] : memref<32768xi32, #tpu.memory_space<hbm>> -> memref<1024xi32, #tpu.memory_space<hbm>>
      tpu.wait_dma2 semaphore(%run_scoped3A : memref<!tpu.dma_semaphore, #tpu.memory_space<semaphore_mem>>) src(%dma_wait3A_214 : memref<1024xi32, #tpu.memory_space<hbm>>) dst(%arg5 : memref<1024xi32, #tpu.memory_space<vmem>>)
      tpu.yield
    }) : () -> ()
    %dma_start3A = arith.constant 0 : i32
    %dma_start3A_3 = arith.constant 0 : i32
    %dma_start3A_4 = tpu.memref_slice %arg6[%dma_start3A, %dma_start3A_3] : memref<448x128xf32, #tpu.memory_space<vmem>> -> memref<128x128xf32, #tpu.memory_space<vmem>>
    %dma_start3A_5 = arith.constant 0 : i32
    %dma_start3A_6 = tpu.memref_slice %arg5[%dma_start3A_5] : memref<1024xi32, #tpu.memory_space<vmem>> -> memref<128xi32, #tpu.memory_space<vmem>>
    %dma_start3A_7 = arith.constant 0 : i32
    %dma_start3A_8 = arith.constant 0 : i32
    %dma_start3A_9 = tpu.memref_slice %arg2[%dma_start3A_7, %dma_start3A_8] : memref<50257x128xf32, #tpu.memory_space<hbm>> -> memref<50257x128xf32, #tpu.memory_space<hbm>>
    tpu.enqueue_indirect_dma source(%dma_start3A_9 : memref<50257x128xf32, #tpu.memory_space<hbm>>) target(%dma_start3A_4 : memref<128x128xf32, #tpu.memory_space<vmem>>) offsets(%dma_start3A_6 : memref<128xi32, #tpu.memory_space<vmem>>) semaphore(%arg8 : memref<!tpu.dma_semaphore, #tpu.memory_space<semaphore_mem>>)
    %dma_start3A_10 = arith.constant 128 : i32
    %dma_start3A_11 = arith.constant 0 : i32
    %dma_start3A_12 = tpu.memref_slice %arg6[%dma_start3A_10, %dma_start3A_11] : memref<448x128xf32, #tpu.memory_space<vmem>> -> memref<128x128xf32, #tpu.memory_space<vmem>>
    %dma_start3A_13 = arith.constant 128 : i32
    %dma_start3A_14 = tpu.memref_slice %arg5[%dma_start3A_13] : memref<1024xi32, #tpu.memory_space<vmem>> -> memref<128xi32, #tpu.memory_space<vmem>>
    %dma_start3A_15 = arith.constant 0 : i32
    %dma_start3A_16 = arith.constant 0 : i32
    %dma_start3A_17 = tpu.memref_slice %arg2[%dma_start3A_15, %dma_start3A_16] : memref<50257x128xf32, #tpu.memory_space<hbm>> -> memref<50257x128xf32, #tpu.memory_space<hbm>>
    tpu.enqueue_indirect_dma source(%dma_start3A_17 : memref<50257x128xf32, #tpu.memory_space<hbm>>) target(%dma_start3A_12 : memref<128x128xf32, #tpu.memory_space<vmem>>) offsets(%dma_start3A_14 : memref<128xi32, #tpu.memory_space<vmem>>) semaphore(%arg8 : memref<!tpu.dma_semaphore, #tpu.memory_space<semaphore_mem>>)
    %dma_start3A_18 = arith.constant 256 : i32
    %dma_start3A_19 = arith.constant 0 : i32
    %dma_start3A_20 = tpu.memref_slice %arg6[%dma_start3A_18, %dma_start3A_19] : memref<448x128xf32, #tpu.memory_space<vmem>> -> memref<128x128xf32, #tpu.memory_space<vmem>>
    %dma_start3A_21 = arith.constant 256 : i32
    %dma_start3A_22 = tpu.memref_slice %arg5[%dma_start3A_21] : memref<1024xi32, #tpu.memory_space<vmem>> -> memref<128xi32, #tpu.memory_space<vmem>>
    %dma_start3A_23 = arith.constant 0 : i32
    %dma_start3A_24 = arith.constant 0 : i32
    %dma_start3A_25 = tpu.memref_slice %arg2[%dma_start3A_23, %dma_start3A_24] : memref<50257x128xf32, #tpu.memory_space<hbm>> -> memref<50257x128xf32, #tpu.memory_space<hbm>>
    tpu.enqueue_indirect_dma source(%dma_start3A_25 : memref<50257x128xf32, #tpu.memory_space<hbm>>) target(%dma_start3A_20 : memref<128x128xf32, #tpu.memory_space<vmem>>) offsets(%dma_start3A_22 : memref<128xi32, #tpu.memory_space<vmem>>) semaphore(%arg8 : memref<!tpu.dma_semaphore, #tpu.memory_space<semaphore_mem>>)
    %dma_start3A_26 = arith.constant 384 : i32
    %dma_start3A_27 = arith.constant 0 : i32
    %dma_start3A_28 = tpu.memref_slice %arg6[%dma_start3A_26, %dma_start3A_27] : memref<448x128xf32, #tpu.memory_space<vmem>> -> memref<64x128xf32, #tpu.memory_space<vmem>>
    %dma_start3A_29 = arith.constant 384 : i32
    %dma_start3A_30 = tpu.memref_slice %arg5[%dma_start3A_29] : memref<1024xi32, #tpu.memory_space<vmem>> -> memref<64xi32, #tpu.memory_space<vmem>>
    %dma_start3A_31 = arith.constant 0 : i32
    %dma_start3A_32 = arith.constant 0 : i32
    %dma_start3A_33 = tpu.memref_slice %arg2[%dma_start3A_31, %dma_start3A_32] : memref<50257x128xf32, #tpu.memory_space<hbm>> -> memref<50257x128xf32, #tpu.memory_space<hbm>>
    tpu.enqueue_indirect_dma source(%dma_start3A_33 : memref<50257x128xf32, #tpu.memory_space<hbm>>) target(%dma_start3A_28 : memref<64x128xf32, #tpu.memory_space<vmem>>) offsets(%dma_start3A_30 : memref<64xi32, #tpu.memory_space<vmem>>) semaphore(%arg8 : memref<!tpu.dma_semaphore, #tpu.memory_space<semaphore_mem>>)
    %dma_start3A_34 = arith.constant 0 : i32
    %dma_start3A_35 = arith.constant 0 : i32
    %dma_start3A_36 = tpu.memref_slice %arg7[%dma_start3A_34, %dma_start3A_35] : memref<448x128xf32, #tpu.memory_space<vmem>> -> memref<128x128xf32, #tpu.memory_space<vmem>>
    %dma_start3A_37 = arith.constant 448 : i32
    %dma_start3A_38 = tpu.memref_slice %arg5[%dma_start3A_37] : memref<1024xi32, #tpu.memory_space<vmem>> -> memref<128xi32, #tpu.memory_space<vmem>>
    %dma_start3A_39 = arith.constant 0 : i32
    %dma_start3A_40 = arith.constant 0 : i32
    %dma_start3A_41 = tpu.memref_slice %arg2[%dma_start3A_39, %dma_start3A_40] : memref<50257x128xf32, #tpu.memory_space<hbm>> -> memref<50257x128xf32, #tpu.memory_space<hbm>>
    tpu.enqueue_indirect_dma source(%dma_start3A_41 : memref<50257x128xf32, #tpu.memory_space<hbm>>) target(%dma_start3A_36 : memref<128x128xf32, #tpu.memory_space<vmem>>) offsets(%dma_start3A_38 : memref<128xi32, #tpu.memory_space<vmem>>) semaphore(%arg9 : memref<!tpu.dma_semaphore, #tpu.memory_space<semaphore_mem>>)
    %dma_start3A_42 = arith.constant 128 : i32
    %dma_start3A_43 = arith.constant 0 : i32
    %dma_start3A_44 = tpu.memref_slice %arg7[%dma_start3A_42, %dma_start3A_43] : memref<448x128xf32, #tpu.memory_space<vmem>> -> memref<128x128xf32, #tpu.memory_space<vmem>>
    %dma_start3A_45 = arith.constant 576 : i32
    %dma_start3A_46 = tpu.memref_slice %arg5[%dma_start3A_45] : memref<1024xi32, #tpu.memory_space<vmem>> -> memref<128xi32, #tpu.memory_space<vmem>>
    %dma_start3A_47 = arith.constant 0 : i32
    %dma_start3A_48 = arith.constant 0 : i32
    %dma_start3A_49 = tpu.memref_slice %arg2[%dma_start3A_47, %dma_start3A_48] : memref<50257x128xf32, #tpu.memory_space<hbm>> -> memref<50257x128xf32, #tpu.memory_space<hbm>>
    tpu.enqueue_indirect_dma source(%dma_start3A_49 : memref<50257x128xf32, #tpu.memory_space<hbm>>) target(%dma_start3A_44 : memref<128x128xf32, #tpu.memory_space<vmem>>) offsets(%dma_start3A_46 : memref<128xi32, #tpu.memory_space<vmem>>) semaphore(%arg9 : memref<!tpu.dma_semaphore, #tpu.memory_space<semaphore_mem>>)
    %dma_start3A_50 = arith.constant 256 : i32
    %dma_start3A_51 = arith.constant 0 : i32
    %dma_start3A_52 = tpu.memref_slice %arg7[%dma_start3A_50, %dma_start3A_51] : memref<448x128xf32, #tpu.memory_space<vmem>> -> memref<128x128xf32, #tpu.memory_space<vmem>>
    %dma_start3A_53 = arith.constant 704 : i32
    %dma_start3A_54 = tpu.memref_slice %arg5[%dma_start3A_53] : memref<1024xi32, #tpu.memory_space<vmem>> -> memref<128xi32, #tpu.memory_space<vmem>>
    %dma_start3A_55 = arith.constant 0 : i32
    %dma_start3A_56 = arith.constant 0 : i32
    %dma_start3A_57 = tpu.memref_slice %arg2[%dma_start3A_55, %dma_start3A_56] : memref<50257x128xf32, #tpu.memory_space<hbm>> -> memref<50257x128xf32, #tpu.memory_space<hbm>>
    tpu.enqueue_indirect_dma source(%dma_start3A_57 : memref<50257x128xf32, #tpu.memory_space<hbm>>) target(%dma_start3A_52 : memref<128x128xf32, #tpu.memory_space<vmem>>) offsets(%dma_start3A_54 : memref<128xi32, #tpu.memory_space<vmem>>) semaphore(%arg9 : memref<!tpu.dma_semaphore, #tpu.memory_space<semaphore_mem>>)
    %dma_start3A_58 = arith.constant 384 : i32
    %dma_start3A_59 = arith.constant 0 : i32
    %dma_start3A_60 = tpu.memref_slice %arg7[%dma_start3A_58, %dma_start3A_59] : memref<448x128xf32, #tpu.memory_space<vmem>> -> memref<64x128xf32, #tpu.memory_space<vmem>>
    %dma_start3A_61 = arith.constant 832 : i32
    %dma_start3A_62 = tpu.memref_slice %arg5[%dma_start3A_61] : memref<1024xi32, #tpu.memory_space<vmem>> -> memref<64xi32, #tpu.memory_space<vmem>>
    %dma_start3A_63 = arith.constant 0 : i32
    %dma_start3A_64 = arith.constant 0 : i32
    %dma_start3A_65 = tpu.memref_slice %arg2[%dma_start3A_63, %dma_start3A_64] : memref<50257x128xf32, #tpu.memory_space<hbm>> -> memref<50257x128xf32, #tpu.memory_space<hbm>>
    tpu.enqueue_indirect_dma source(%dma_start3A_65 : memref<50257x128xf32, #tpu.memory_space<hbm>>) target(%dma_start3A_60 : memref<64x128xf32, #tpu.memory_space<vmem>>) offsets(%dma_start3A_62 : memref<64xi32, #tpu.memory_space<vmem>>) semaphore(%arg9 : memref<!tpu.dma_semaphore, #tpu.memory_space<semaphore_mem>>)
    %dma_wait3A = arith.constant 0 : i32
    %dma_wait3A_66 = arith.constant 0 : i32
    %dma_wait3A_67 = tpu.memref_slice %arg6[%dma_wait3A, %dma_wait3A_66] : memref<448x128xf32, #tpu.memory_space<vmem>> -> memref<128x128xf32, #tpu.memory_space<vmem>>
    %dma_wait3A_68 = arith.constant 0 : i32
    %dma_wait3A_69 = tpu.memref_slice %arg5[%dma_wait3A_68] : memref<1024xi32, #tpu.memory_space<vmem>> -> memref<128xi32, #tpu.memory_space<vmem>>
    %dma_wait3A_70 = arith.constant 0 : i32
    %dma_wait3A_71 = arith.constant 0 : i32
    %dma_wait3A_72 = tpu.memref_slice %arg2[%dma_wait3A_70, %dma_wait3A_71] : memref<50257x128xf32, #tpu.memory_space<hbm>> -> memref<50257x128xf32, #tpu.memory_space<hbm>>
    tpu.wait_indirect_dma semaphore(%arg8 : memref<!tpu.dma_semaphore, #tpu.memory_space<semaphore_mem>>) src(%dma_wait3A_72 : memref<50257x128xf32, #tpu.memory_space<hbm>>) dst(%dma_wait3A_67 : memref<128x128xf32, #tpu.memory_space<vmem>>)
    %dma_wait3A_73 = arith.constant 128 : i32
    %dma_wait3A_74 = arith.constant 0 : i32
    %dma_wait3A_75 = tpu.memref_slice %arg6[%dma_wait3A_73, %dma_wait3A_74] : memref<448x128xf32, #tpu.memory_space<vmem>> -> memref<128x128xf32, #tpu.memory_space<vmem>>
    %dma_wait3A_76 = arith.constant 128 : i32
    %dma_wait3A_77 = tpu.memref_slice %arg5[%dma_wait3A_76] : memref<1024xi32, #tpu.memory_space<vmem>> -> memref<128xi32, #tpu.memory_space<vmem>>
    %dma_wait3A_78 = arith.constant 0 : i32
    %dma_wait3A_79 = arith.constant 0 : i32
    %dma_wait3A_80 = tpu.memref_slice %arg2[%dma_wait3A_78, %dma_wait3A_79] : memref<50257x128xf32, #tpu.memory_space<hbm>> -> memref<50257x128xf32, #tpu.memory_space<hbm>>
    tpu.wait_indirect_dma semaphore(%arg8 : memref<!tpu.dma_semaphore, #tpu.memory_space<semaphore_mem>>) src(%dma_wait3A_80 : memref<50257x128xf32, #tpu.memory_space<hbm>>) dst(%dma_wait3A_75 : memref<128x128xf32, #tpu.memory_space<vmem>>)
    %dma_wait3A_81 = arith.constant 256 : i32
    %dma_wait3A_82 = arith.constant 0 : i32
    %dma_wait3A_83 = tpu.memref_slice %arg6[%dma_wait3A_81, %dma_wait3A_82] : memref<448x128xf32, #tpu.memory_space<vmem>> -> memref<128x128xf32, #tpu.memory_space<vmem>>
    %dma_wait3A_84 = arith.constant 256 : i32
    %dma_wait3A_85 = tpu.memref_slice %arg5[%dma_wait3A_84] : memref<1024xi32, #tpu.memory_space<vmem>> -> memref<128xi32, #tpu.memory_space<vmem>>
    %dma_wait3A_86 = arith.constant 0 : i32
    %dma_wait3A_87 = arith.constant 0 : i32
    %dma_wait3A_88 = tpu.memref_slice %arg2[%dma_wait3A_86, %dma_wait3A_87] : memref<50257x128xf32, #tpu.memory_space<hbm>> -> memref<50257x128xf32, #tpu.memory_space<hbm>>
    tpu.wait_indirect_dma semaphore(%arg8 : memref<!tpu.dma_semaphore, #tpu.memory_space<semaphore_mem>>) src(%dma_wait3A_88 : memref<50257x128xf32, #tpu.memory_space<hbm>>) dst(%dma_wait3A_83 : memref<128x128xf32, #tpu.memory_space<vmem>>)
    %dma_wait3A_89 = arith.constant 384 : i32
    %dma_wait3A_90 = arith.constant 0 : i32
    %dma_wait3A_91 = tpu.memref_slice %arg6[%dma_wait3A_89, %dma_wait3A_90] : memref<448x128xf32, #tpu.memory_space<vmem>> -> memref<64x128xf32, #tpu.memory_space<vmem>>
    %dma_wait3A_92 = arith.constant 384 : i32
    %dma_wait3A_93 = tpu.memref_slice %arg5[%dma_wait3A_92] : memref<1024xi32, #tpu.memory_space<vmem>> -> memref<64xi32, #tpu.memory_space<vmem>>
    %dma_wait3A_94 = arith.constant 0 : i32
    %dma_wait3A_95 = arith.constant 0 : i32
    %dma_wait3A_96 = tpu.memref_slice %arg2[%dma_wait3A_94, %dma_wait3A_95] : memref<50257x128xf32, #tpu.memory_space<hbm>> -> memref<50257x128xf32, #tpu.memory_space<hbm>>
    tpu.wait_indirect_dma semaphore(%arg8 : memref<!tpu.dma_semaphore, #tpu.memory_space<semaphore_mem>>) src(%dma_wait3A_96 : memref<50257x128xf32, #tpu.memory_space<hbm>>) dst(%dma_wait3A_91 : memref<64x128xf32, #tpu.memory_space<vmem>>)
    %add3A_97 = arith.constant 0 : i32
    %add3A_98 = arith.addi %mul3A_2, %add3A_97 : i32
    %dma_start3A_99 = arith.constant 0 : i32
    %dma_start3A_100 = arith.constant 0 : i32
    %dma_start3A_101 = tpu.memref_slice %arg6[%dma_start3A_99, %dma_start3A_100] : memref<448x128xf32, #tpu.memory_space<vmem>> -> memref<448x128xf32, #tpu.memory_space<vmem>>
    %dma_start3A_102 = arith.constant 0 : i32
    %dma_start3A_103 = tpu.memref_slice %arg4[%add3A_98, %dma_start3A_102] : memref<32768x128xf32, #tpu.memory_space<hbm>> -> memref<448x128xf32, #tpu.memory_space<hbm>>
    %dma_start3A_104 = arith.constant 0 : i32
    %dma_start3A_105 = tpu.memref_slice %arg4[%add3A_98, %dma_start3A_104] : memref<32768x128xf32, #tpu.memory_space<hbm>> -> memref<448x128xf32, #tpu.memory_space<hbm>>
    %dma_start3A_106 = arith.constant 0 : i32
    %dma_start3A_107 = arith.constant 0 : i32
    %dma_start3A_108 = tpu.memref_slice %arg6[%dma_start3A_106, %dma_start3A_107] : memref<448x128xf32, #tpu.memory_space<vmem>> -> memref<448x128xf32, #tpu.memory_space<vmem>>
    tpu.enqueue_dma source(%dma_start3A_108 : memref<448x128xf32, #tpu.memory_space<vmem>>) target(%dma_start3A_105 : memref<448x128xf32, #tpu.memory_space<hbm>>) target_semaphore(%arg10 : memref<!tpu.dma_semaphore, #tpu.memory_space<semaphore_mem>>)
    %dma_wait3A_109 = arith.constant 0 : i32
    %dma_wait3A_110 = arith.constant 0 : i32
    %dma_wait3A_111 = tpu.memref_slice %arg6[%dma_wait3A_109, %dma_wait3A_110] : memref<448x128xf32, #tpu.memory_space<vmem>> -> memref<448x128xf32, #tpu.memory_space<vmem>>
    %dma_wait3A_112 = arith.constant 0 : i32
    %dma_wait3A_113 = tpu.memref_slice %arg4[%add3A_98, %dma_wait3A_112] : memref<32768x128xf32, #tpu.memory_space<hbm>> -> memref<448x128xf32, #tpu.memory_space<hbm>>
    %dma_wait3A_114 = arith.constant 0 : i32
    %dma_wait3A_115 = tpu.memref_slice %arg4[%add3A_98, %dma_wait3A_114] : memref<32768x128xf32, #tpu.memory_space<hbm>> -> memref<448x128xf32, #tpu.memory_space<hbm>>
    %dma_wait3A_116 = arith.constant 0 : i32
    %dma_wait3A_117 = arith.constant 0 : i32
    %dma_wait3A_118 = tpu.memref_slice %arg6[%dma_wait3A_116, %dma_wait3A_117] : memref<448x128xf32, #tpu.memory_space<vmem>> -> memref<448x128xf32, #tpu.memory_space<vmem>>
    tpu.wait_dma2 semaphore(%arg10 : memref<!tpu.dma_semaphore, #tpu.memory_space<semaphore_mem>>) src(%dma_wait3A_118 : memref<448x128xf32, #tpu.memory_space<vmem>>) dst(%dma_wait3A_115 : memref<448x128xf32, #tpu.memory_space<hbm>>)
    %dma_start3A_119 = arith.constant 0 : i32
    %dma_start3A_120 = arith.constant 0 : i32
    %dma_start3A_121 = tpu.memref_slice %arg6[%dma_start3A_119, %dma_start3A_120] : memref<448x128xf32, #tpu.memory_space<vmem>> -> memref<128x128xf32, #tpu.memory_space<vmem>>
    %dma_start3A_122 = arith.constant 896 : i32
    %dma_start3A_123 = tpu.memref_slice %arg5[%dma_start3A_122] : memref<1024xi32, #tpu.memory_space<vmem>> -> memref<128xi32, #tpu.memory_space<vmem>>
    %dma_start3A_124 = arith.constant 0 : i32
    %dma_start3A_125 = arith.constant 0 : i32
    %dma_start3A_126 = tpu.memref_slice %arg2[%dma_start3A_124, %dma_start3A_125] : memref<50257x128xf32, #tpu.memory_space<hbm>> -> memref<50257x128xf32, #tpu.memory_space<hbm>>
    tpu.enqueue_indirect_dma source(%dma_start3A_126 : memref<50257x128xf32, #tpu.memory_space<hbm>>) target(%dma_start3A_121 : memref<128x128xf32, #tpu.memory_space<vmem>>) offsets(%dma_start3A_123 : memref<128xi32, #tpu.memory_space<vmem>>) semaphore(%arg8 : memref<!tpu.dma_semaphore, #tpu.memory_space<semaphore_mem>>)
    %dma_wait3A_127 = arith.constant 0 : i32
    %dma_wait3A_128 = arith.constant 0 : i32
    %dma_wait3A_129 = tpu.memref_slice %arg7[%dma_wait3A_127, %dma_wait3A_128] : memref<448x128xf32, #tpu.memory_space<vmem>> -> memref<128x128xf32, #tpu.memory_space<vmem>>
    %dma_wait3A_130 = arith.constant 448 : i32
    %dma_wait3A_131 = tpu.memref_slice %arg5[%dma_wait3A_130] : memref<1024xi32, #tpu.memory_space<vmem>> -> memref<128xi32, #tpu.memory_space<vmem>>
    %dma_wait3A_132 = arith.constant 0 : i32
    %dma_wait3A_133 = arith.constant 0 : i32
    %dma_wait3A_134 = tpu.memref_slice %arg2[%dma_wait3A_132, %dma_wait3A_133] : memref<50257x128xf32, #tpu.memory_space<hbm>> -> memref<50257x128xf32, #tpu.memory_space<hbm>>
    tpu.wait_indirect_dma semaphore(%arg9 : memref<!tpu.dma_semaphore, #tpu.memory_space<semaphore_mem>>) src(%dma_wait3A_134 : memref<50257x128xf32, #tpu.memory_space<hbm>>) dst(%dma_wait3A_129 : memref<128x128xf32, #tpu.memory_space<vmem>>)
    %dma_wait3A_135 = arith.constant 128 : i32
    %dma_wait3A_136 = arith.constant 0 : i32
    %dma_wait3A_137 = tpu.memref_slice %arg7[%dma_wait3A_135, %dma_wait3A_136] : memref<448x128xf32, #tpu.memory_space<vmem>> -> memref<128x128xf32, #tpu.memory_space<vmem>>
    %dma_wait3A_138 = arith.constant 576 : i32
    %dma_wait3A_139 = tpu.memref_slice %arg5[%dma_wait3A_138] : memref<1024xi32, #tpu.memory_space<vmem>> -> memref<128xi32, #tpu.memory_space<vmem>>
    %dma_wait3A_140 = arith.constant 0 : i32
    %dma_wait3A_141 = arith.constant 0 : i32
    %dma_wait3A_142 = tpu.memref_slice %arg2[%dma_wait3A_140, %dma_wait3A_141] : memref<50257x128xf32, #tpu.memory_space<hbm>> -> memref<50257x128xf32, #tpu.memory_space<hbm>>
    tpu.wait_indirect_dma semaphore(%arg9 : memref<!tpu.dma_semaphore, #tpu.memory_space<semaphore_mem>>) src(%dma_wait3A_142 : memref<50257x128xf32, #tpu.memory_space<hbm>>) dst(%dma_wait3A_137 : memref<128x128xf32, #tpu.memory_space<vmem>>)
    %dma_wait3A_143 = arith.constant 256 : i32
    %dma_wait3A_144 = arith.constant 0 : i32
    %dma_wait3A_145 = tpu.memref_slice %arg7[%dma_wait3A_143, %dma_wait3A_144] : memref<448x128xf32, #tpu.memory_space<vmem>> -> memref<128x128xf32, #tpu.memory_space<vmem>>
    %dma_wait3A_146 = arith.constant 704 : i32
    %dma_wait3A_147 = tpu.memref_slice %arg5[%dma_wait3A_146] : memref<1024xi32, #tpu.memory_space<vmem>> -> memref<128xi32, #tpu.memory_space<vmem>>
    %dma_wait3A_148 = arith.constant 0 : i32
    %dma_wait3A_149 = arith.constant 0 : i32
    %dma_wait3A_150 = tpu.memref_slice %arg2[%dma_wait3A_148, %dma_wait3A_149] : memref<50257x128xf32, #tpu.memory_space<hbm>> -> memref<50257x128xf32, #tpu.memory_space<hbm>>
    tpu.wait_indirect_dma semaphore(%arg9 : memref<!tpu.dma_semaphore, #tpu.memory_space<semaphore_mem>>) src(%dma_wait3A_150 : memref<50257x128xf32, #tpu.memory_space<hbm>>) dst(%dma_wait3A_145 : memref<128x128xf32, #tpu.memory_space<vmem>>)
    %dma_wait3A_151 = arith.constant 384 : i32
    %dma_wait3A_152 = arith.constant 0 : i32
    %dma_wait3A_153 = tpu.memref_slice %arg7[%dma_wait3A_151, %dma_wait3A_152] : memref<448x128xf32, #tpu.memory_space<vmem>> -> memref<64x128xf32, #tpu.memory_space<vmem>>
    %dma_wait3A_154 = arith.constant 832 : i32
    %dma_wait3A_155 = tpu.memref_slice %arg5[%dma_wait3A_154] : memref<1024xi32, #tpu.memory_space<vmem>> -> memref<64xi32, #tpu.memory_space<vmem>>
    %dma_wait3A_156 = arith.constant 0 : i32
    %dma_wait3A_157 = arith.constant 0 : i32
    %dma_wait3A_158 = tpu.memref_slice %arg2[%dma_wait3A_156, %dma_wait3A_157] : memref<50257x128xf32, #tpu.memory_space<hbm>> -> memref<50257x128xf32, #tpu.memory_space<hbm>>
    tpu.wait_indirect_dma semaphore(%arg9 : memref<!tpu.dma_semaphore, #tpu.memory_space<semaphore_mem>>) src(%dma_wait3A_158 : memref<50257x128xf32, #tpu.memory_space<hbm>>) dst(%dma_wait3A_153 : memref<64x128xf32, #tpu.memory_space<vmem>>)
    %add3A_159 = arith.constant 448 : i32
    %add3A_160 = arith.addi %mul3A_2, %add3A_159 : i32
    %dma_start3A_161 = arith.constant 0 : i32
    %dma_start3A_162 = arith.constant 0 : i32
    %dma_start3A_163 = tpu.memref_slice %arg7[%dma_start3A_161, %dma_start3A_162] : memref<448x128xf32, #tpu.memory_space<vmem>> -> memref<448x128xf32, #tpu.memory_space<vmem>>
    %dma_start3A_164 = arith.constant 0 : i32
    %dma_start3A_165 = tpu.memref_slice %arg4[%add3A_160, %dma_start3A_164] : memref<32768x128xf32, #tpu.memory_space<hbm>> -> memref<448x128xf32, #tpu.memory_space<hbm>>
    %dma_start3A_166 = arith.constant 0 : i32
    %dma_start3A_167 = tpu.memref_slice %arg4[%add3A_160, %dma_start3A_166] : memref<32768x128xf32, #tpu.memory_space<hbm>> -> memref<448x128xf32, #tpu.memory_space<hbm>>
    %dma_start3A_168 = arith.constant 0 : i32
    %dma_start3A_169 = arith.constant 0 : i32
    %dma_start3A_170 = tpu.memref_slice %arg7[%dma_start3A_168, %dma_start3A_169] : memref<448x128xf32, #tpu.memory_space<vmem>> -> memref<448x128xf32, #tpu.memory_space<vmem>>
    tpu.enqueue_dma source(%dma_start3A_170 : memref<448x128xf32, #tpu.memory_space<vmem>>) target(%dma_start3A_167 : memref<448x128xf32, #tpu.memory_space<hbm>>) target_semaphore(%arg11 : memref<!tpu.dma_semaphore, #tpu.memory_space<semaphore_mem>>)
    %dma_wait3A_171 = arith.constant 0 : i32
    %dma_wait3A_172 = arith.constant 0 : i32
    %dma_wait3A_173 = tpu.memref_slice %arg6[%dma_wait3A_171, %dma_wait3A_172] : memref<448x128xf32, #tpu.memory_space<vmem>> -> memref<128x128xf32, #tpu.memory_space<vmem>>
    %dma_wait3A_174 = arith.constant 896 : i32
    %dma_wait3A_175 = tpu.memref_slice %arg5[%dma_wait3A_174] : memref<1024xi32, #tpu.memory_space<vmem>> -> memref<128xi32, #tpu.memory_space<vmem>>
    %dma_wait3A_176 = arith.constant 0 : i32
    %dma_wait3A_177 = arith.constant 0 : i32
    %dma_wait3A_178 = tpu.memref_slice %arg2[%dma_wait3A_176, %dma_wait3A_177] : memref<50257x128xf32, #tpu.memory_space<hbm>> -> memref<50257x128xf32, #tpu.memory_space<hbm>>
    tpu.wait_indirect_dma semaphore(%arg8 : memref<!tpu.dma_semaphore, #tpu.memory_space<semaphore_mem>>) src(%dma_wait3A_178 : memref<50257x128xf32, #tpu.memory_space<hbm>>) dst(%dma_wait3A_173 : memref<128x128xf32, #tpu.memory_space<vmem>>)
    %add3A_179 = arith.constant 896 : i32
    %add3A_180 = arith.addi %mul3A_2, %add3A_179 : i32
    %dma_start3A_181 = arith.constant 0 : i32
    %dma_start3A_182 = arith.constant 0 : i32
    %dma_start3A_183 = tpu.memref_slice %arg6[%dma_start3A_181, %dma_start3A_182] : memref<448x128xf32, #tpu.memory_space<vmem>> -> memref<128x128xf32, #tpu.memory_space<vmem>>
    %dma_start3A_184 = arith.constant 0 : i32
    %dma_start3A_185 = tpu.memref_slice %arg4[%add3A_180, %dma_start3A_184] : memref<32768x128xf32, #tpu.memory_space<hbm>> -> memref<128x128xf32, #tpu.memory_space<hbm>>
    %dma_start3A_186 = arith.constant 0 : i32
    %dma_start3A_187 = tpu.memref_slice %arg4[%add3A_180, %dma_start3A_186] : memref<32768x128xf32, #tpu.memory_space<hbm>> -> memref<128x128xf32, #tpu.memory_space<hbm>>
    %dma_start3A_188 = arith.constant 0 : i32
    %dma_start3A_189 = arith.constant 0 : i32
    %dma_start3A_190 = tpu.memref_slice %arg6[%dma_start3A_188, %dma_start3A_189] : memref<448x128xf32, #tpu.memory_space<vmem>> -> memref<128x128xf32, #tpu.memory_space<vmem>>
    tpu.enqueue_dma source(%dma_start3A_190 : memref<128x128xf32, #tpu.memory_space<vmem>>) target(%dma_start3A_187 : memref<128x128xf32, #tpu.memory_space<hbm>>) target_semaphore(%arg10 : memref<!tpu.dma_semaphore, #tpu.memory_space<semaphore_mem>>)
    %dma_wait3A_191 = arith.constant 0 : i32
    %dma_wait3A_192 = arith.constant 0 : i32
    %dma_wait3A_193 = tpu.memref_slice %arg7[%dma_wait3A_191, %dma_wait3A_192] : memref<448x128xf32, #tpu.memory_space<vmem>> -> memref<448x128xf32, #tpu.memory_space<vmem>>
    %dma_wait3A_194 = arith.constant 0 : i32
    %dma_wait3A_195 = tpu.memref_slice %arg4[%add3A_160, %dma_wait3A_194] : memref<32768x128xf32, #tpu.memory_space<hbm>> -> memref<448x128xf32, #tpu.memory_space<hbm>>
    %dma_wait3A_196 = arith.constant 0 : i32
    %dma_wait3A_197 = tpu.memref_slice %arg4[%add3A_160, %dma_wait3A_196] : memref<32768x128xf32, #tpu.memory_space<hbm>> -> memref<448x128xf32, #tpu.memory_space<hbm>>
    %dma_wait3A_198 = arith.constant 0 : i32
    %dma_wait3A_199 = arith.constant 0 : i32
    %dma_wait3A_200 = tpu.memref_slice %arg7[%dma_wait3A_198, %dma_wait3A_199] : memref<448x128xf32, #tpu.memory_space<vmem>> -> memref<448x128xf32, #tpu.memory_space<vmem>>
    tpu.wait_dma2 semaphore(%arg11 : memref<!tpu.dma_semaphore, #tpu.memory_space<semaphore_mem>>) src(%dma_wait3A_200 : memref<448x128xf32, #tpu.memory_space<vmem>>) dst(%dma_wait3A_197 : memref<448x128xf32, #tpu.memory_space<hbm>>)
    %dma_wait3A_201 = arith.constant 0 : i32
    %dma_wait3A_202 = arith.constant 0 : i32
    %dma_wait3A_203 = tpu.memref_slice %arg6[%dma_wait3A_201, %dma_wait3A_202] : memref<448x128xf32, #tpu.memory_space<vmem>> -> memref<128x128xf32, #tpu.memory_space<vmem>>
    %dma_wait3A_204 = arith.constant 0 : i32
    %dma_wait3A_205 = tpu.memref_slice %arg4[%add3A_180, %dma_wait3A_204] : memref<32768x128xf32, #tpu.memory_space<hbm>> -> memref<128x128xf32, #tpu.memory_space<hbm>>
    %dma_wait3A_206 = arith.constant 0 : i32
    %dma_wait3A_207 = tpu.memref_slice %arg4[%add3A_180, %dma_wait3A_206] : memref<32768x128xf32, #tpu.memory_space<hbm>> -> memref<128x128xf32, #tpu.memory_space<hbm>>
    %dma_wait3A_208 = arith.constant 0 : i32
    %dma_wait3A_209 = arith.constant 0 : i32
    %dma_wait3A_210 = tpu.memref_slice %arg6[%dma_wait3A_208, %dma_wait3A_209] : memref<448x128xf32, #tpu.memory_space<vmem>> -> memref<128x128xf32, #tpu.memory_space<vmem>>
    tpu.wait_dma2 semaphore(%arg10 : memref<!tpu.dma_semaphore, #tpu.memory_space<semaphore_mem>>) src(%dma_wait3A_210 : memref<128x128xf32, #tpu.memory_space<vmem>>) dst(%dma_wait3A_207 : memref<128x128xf32, #tpu.memory_space<hbm>>)
    return
  }
}

module attributes {stable_mosaic.version = 14 : i64} {
  func.func @_up_body(%arg0: i32, %arg1: memref<2048x128xf32, #tpu.memory_space<vmem>>, %arg2: memref<64x2048xf32, #tpu.memory_space<vmem>>, %arg3: memref<2048x2048xf32, #tpu.memory_space<vmem>>) attributes {dimension_semantics = [#tpu.dimension_semantics<arbitrary>], iteration_bounds = array<i64: 16>, scalar_prefetch = 0 : i64, scratch_operands = 0 : i64, tpu.core_type = #tpu.core_type<tc>, window_params = [{transform_indices = @transform_0, window_bounds = array<i64: 2048, 128>}, {pipeline_mode = #tpu.pipeline_mode<synchronous>, transform_indices = @transform_1, window_bounds = array<i64: 64, 2048>}, {transform_indices = @transform_2, window_bounds = array<i64: 2048, 2048>}]} {
    %get3A = arith.constant 0 : index
    %get3A_0 = arith.constant 0 : index
    %get3A_1 = vector.load %arg1[%get3A, %get3A_0] : memref<2048x128xf32, #tpu.memory_space<vmem>>, vector<2048x128xf32>
    %slice3A = vector.extract_strided_slice %get3A_1 {offsets = [0, 0], sizes = [2048, 64], strides = [1, 1]} : vector<2048x128xf32> to vector<2048x64xf32>
    %get3A_2 = arith.constant 0 : index
    %get3A_3 = arith.constant 0 : index
    %get3A_4 = vector.load %arg2[%get3A_2, %get3A_3] : memref<64x2048xf32, #tpu.memory_space<vmem>>, vector<64x2048xf32>
    %dot_general3A = arith.constant dense<0.000000e+00> : vector<2048x2048xf32>
    %dot_general3A_5 = tpu.matmul %slice3A, %get3A_4, %dot_general3A {dimension_numbers = #tpu.dot_dimension_numbers<[1], [0], [0], [1], [0, 0, 1, 1], [], []>, transpose_lhs_hint = false} : vector<2048x64xf32>, vector<64x2048xf32>, vector<2048x2048xf32> -> vector<2048x2048xf32>
    %swap3A = arith.constant 0 : index
    %swap3A_6 = arith.constant 0 : index
    %swap3A_7 = vector.load %arg3[%swap3A, %swap3A_6] : memref<2048x2048xf32, #tpu.memory_space<vmem>>, vector<2048x2048xf32>
    tpu.vector_store %arg3[%swap3A, %swap3A_6], %dot_general3A_5 {strides = array<i32>} : memref<2048x2048xf32, #tpu.memory_space<vmem>>, vector<2048x2048xf32>,
    return
  }
  func.func @transform_0(%arg0: i32) -> (i32, i32) {
    %c0_i32 = arith.constant 0 : i32
    %c0_i32_0 = arith.constant 0 : i32
    return %arg0, %c0_i32 : i32, i32
  }
  func.func @transform_1(%arg0: i32) -> (i32, i32) {
    %c0_i32 = arith.constant 0 : i32
    %c0_i32_0 = arith.constant 0 : i32
    %c0_i32_1 = arith.constant 0 : i32
    return %c0_i32, %c0_i32_0 : i32, i32
  }
  func.func @transform_2(%arg0: i32) -> (i32, i32) {
    %c0_i32 = arith.constant 0 : i32
    %c0_i32_0 = arith.constant 0 : i32
    return %arg0, %c0_i32 : i32, i32
  }
}

module attributes {stable_mosaic.version = 14 : i64} {
  func.func @_down_body(%arg0: i32, %arg1: memref<4096x768xf32, #tpu.memory_space<vmem>>, %arg2: memref<768x64xf32, #tpu.memory_space<vmem>>, %arg3: memref<1xf32, #tpu.memory_space<smem>>, %arg4: memref<4096x128xf32, #tpu.memory_space<vmem>>) attributes {dimension_semantics = [#tpu.dimension_semantics<arbitrary>], iteration_bounds = array<i64: 13>, scalar_prefetch = 0 : i64, scratch_operands = 0 : i64, tpu.core_type = #tpu.core_type<tc>, window_params = [{transform_indices = @transform_0, window_bounds = array<i64: 4096, 768>}, {pipeline_mode = #tpu.pipeline_mode<synchronous>, transform_indices = @transform_1, window_bounds = array<i64: 768, 64>}, {transform_indices = @transform_2, window_bounds = array<i64: 1>}, {transform_indices = @transform_3, window_bounds = array<i64: 4096, 128>}]} {
    %get3A = arith.constant 0 : index
    %get3A_0 = memref.load %arg3[%get3A] : memref<1xf32, #tpu.memory_space<smem>>
    %logistic3A = arith.negf %get3A_0 : f32
    %logistic3A_1 = math.exp %logistic3A : f32
    %logistic3A_2 = arith.constant 1.000000e+00 : f32
    %logistic3A_3 = arith.addf %logistic3A_2, %logistic3A_1 : f32
    %logistic3A_4 = arith.divf %logistic3A_2, %logistic3A_3 : f32
    %get3A_5 = arith.constant 0 : index
    %get3A_6 = arith.constant 0 : index
    %get3A_7 = vector.load %arg1[%get3A_5, %get3A_6] : memref<4096x768xf32, #tpu.memory_space<vmem>>, vector<4096x768xf32>
    %get3A_8 = arith.constant 0 : index
    %get3A_9 = arith.constant 0 : index
    %get3A_10 = vector.load %arg2[%get3A_8, %get3A_9] : memref<768x64xf32, #tpu.memory_space<vmem>>, vector<768x64xf32>
    %dot_general3A = arith.constant dense<0.000000e+00> : vector<4096x64xf32>
    %dot_general3A_11 = tpu.matmul %get3A_7, %get3A_10, %dot_general3A {dimension_numbers = #tpu.dot_dimension_numbers<[1], [0], [0], [1], [0, 0, 1, 1], [], []>, transpose_lhs_hint = false} : vector<4096x768xf32>, vector<768x64xf32>, vector<4096x64xf32> -> vector<4096x64xf32>
    %logistic3A_12 = arith.negf %dot_general3A_11 : vector<4096x64xf32>
    %logistic3A_13 = math.exp %logistic3A_12 : vector<4096x64xf32>
    %logistic3A_14 = arith.constant 1.000000e+00 : f32
    %logistic3A_15 = vector.broadcast %logistic3A_14 : f32 to vector<4096x64xf32>
    %logistic3A_16 = arith.addf %logistic3A_15, %logistic3A_13 : vector<4096x64xf32>
    %logistic3A_17 = arith.divf %logistic3A_15, %logistic3A_16 : vector<4096x64xf32>
    %mul3A = arith.mulf %dot_general3A_11, %logistic3A_17 : vector<4096x64xf32>
    %mul3A_18 = vector.broadcast %logistic3A_4 : f32 to vector<4096x64xf32>
    %mul3A_19 = arith.mulf %mul3A, %mul3A_18 : vector<4096x64xf32>
    %broadcast_in_dim3A = arith.constant 0.000000e+00 : f32
    %broadcast_in_dim3A_20 = vector.broadcast %broadcast_in_dim3A : f32 to vector<4096x64xf32>
    %concatenate3A = tpu.concatenate %mul3A_19, %broadcast_in_dim3A_20 in 1 : vector<4096x64xf32>, vector<4096x64xf32> -> vector<4096x128xf32>
    %swap3A = arith.constant 0 : index
    %swap3A_21 = arith.constant 0 : index
    %swap3A_22 = vector.load %arg4[%swap3A, %swap3A_21] : memref<4096x128xf32, #tpu.memory_space<vmem>>, vector<4096x128xf32>
    tpu.vector_store %arg4[%swap3A, %swap3A_21], %concatenate3A {strides = array<i32>} : memref<4096x128xf32, #tpu.memory_space<vmem>>, vector<4096x128xf32>,
    return
  }
  func.func @transform_0(%arg0: i32) -> (i32, i32) {
    %c0_i32 = arith.constant 0 : i32
    %c0_i32_0 = arith.constant 0 : i32
    return %arg0, %c0_i32 : i32, i32
  }
  func.func @transform_1(%arg0: i32) -> (i32, i32) {
    %c0_i32 = arith.constant 0 : i32
    %c0_i32_0 = arith.constant 0 : i32
    %c0_i32_1 = arith.constant 0 : i32
    return %c0_i32, %c0_i32_0 : i32, i32
  }
  func.func @transform_2(%arg0: i32) -> i32 {
    %c0_i32 = arith.constant 0 : i32
    %c0_i32_0 = arith.constant 0 : i32
    return %c0_i32 : i32
  }
  func.func @transform_3(%arg0: i32) -> (i32, i32) {
    %c0_i32 = arith.constant 0 : i32
    %c0_i32_0 = arith.constant 0 : i32
    return %arg0, %c0_i32 : i32, i32
  }
}

</mosaic_0001>

<sc_bundles>
// kernel: kernel.5.cloned.1.call-start
scs
__scs_entry_jumppad:
0x0: {  	(pc) =	sbr.rel $0x88, $3  }
0x1: {  	(tag) =	ssettag $0x0;
	lr =	simm.s32 $0x1  }
0x2: {  	[smem:$0x3F9C] =	sst lr;
	_ =	strace $0xD0000000  }
0x3: {  	_ = 	snop  }
0x4: {  	_ = 	snop  }
0x5: {  	_ = 	snop  }
0x6: {  	_ = 	snop  }
0x7: {  	_ = 	snop  }
__scs_overlays_trampoline_lowered:
0x8: {  	[smem:$0x3FAB] =	sst s0  }
0x9: {  	[smem:$0x3FAC] =	sst s1  }
0xa: {  	[smem:$0x3FAD] =	sst s2  }
0xb: {  	[smem:$0x3FAE] =	sst s3  }
0xc: {  	[smem:$0x3FAF] =	sst s4  }
0xd: {  	[smem:$0x3FB0] =	sst s5  }
0xe: {  	[smem:$0x3FB1] =	sst s6  }
0xf: {  	[smem:$0x3FB2] =	sst s7  }
0x10: {  	[smem:$0x3FB3] =	sst s8  }
0x11: {  	[smem:$0x3FB4] =	sst s9;
	s0 =	simm.s32 @!p0 $0x0  }
0x12: {  	s1 =	sld [smem:$0x3F9A];
	s0 =	simm.s32 @p0 $0x1  }
0x13: {  	[smem:$0x3FB5] =	sst s0;
	s0 =	simm.s32 @!p1 $0x0  }
0x14: {  	s2 =	sld [smem:$0x3F99];
	s0 =	simm.s32 @p1 $0x1  }
0x15: {  	[smem:$0x3FB6] =	sst s0;
	s0 =	simm.s32 @!p2 $0x0  }
0x16: {  	s3 =	sld [smem:$0x3FDB];
	s0 =	simm.s32 @p2 $0x1  }
0x17: {  	s4 =	simm.s32 $0x1BF5;
	[smem:$0x3FB8] =	sst s0  }
0x18: {  	s0 =	sld [smem:$0x3F9B];
	_ =	swait.ge [sflag:s4], $0x0  }
0x19: {  	s7 =	sld [smem:$0x3F9C]  }
0x1a: {  	s8 =	sadd.s32 $0xFFFFE003, lr  }
0x1b: {  	s9 =	sadd.s32 $0xFFFFFEF7, lr;
	s5 =	simm.s32 $0xFFFFFFFF;
	p2 =	slt.u32 s8, $0xFFFFF086  }
0x1c: {  	p1 =	slt.u32 s9, $0xF7A;
	s5 =	simm.s32 @!p2 $0x0  }
0x1d: {  	s5 =	simm.s32 @p1 $0x1;
	p0 =	seq.s32 s7, s2  }
0x1e: {  	s7 =	smul.u32 @!p0 $0xF7A, s2;
	p2 =	seq.s32 @!p0 s5, $0x0  }
0x1f: {  	s9 =	smul.u32 $0xF7A, s1;
	s8 =	simm.s32 @!p0 $0x1BF5;
	p2 =	por !p2, p0  }
0x20: {  	[sflag:s8] =	ssyncset.s32 @!p0 $0xFFFFF086;
	s6 =	sadd.s32 @!p0 s3, s7;
	s7 =	simm.s32 @!p0 $0x108  }
0x21: {  	s3 =	sadd.s32 s3, s9;
	s6 =	sadd.s32 @!p0 $0x88, s6;
	s7 =	simm.s32 @p2 $0x1082  }
0x22: {  	[simem:s7], [sflag:s8] =	dma.local @!p0 [hbm:s6], $0xF7A  }
0x23: {  	s9 =	sor.u32 $0xD0000000, s2;
	s6 =	simm.s32 $0x108;
	_ =	swait.ge @!p0 [sflag:s8], $0x0  }
0x24: {  	s3 =	sadd.s32 $0x88, s3;
	s6 =	simm.s32 @!p1 $0x1082;
	[sflag:s4] =	ssyncset.s32 $0xFFFFF086  }
0x25: {  	[simem:s6], [sflag:s4] =	dma.local [hbm:s3], $0xF7A  }
0x26: {  	[smem:$0x3F9C] =	sst s1;
	(tag) =	ssettag s2;
	_ =	strace s9  }
0x27: {  	s1 =	sld [smem:$0x3FAC]  }
0x28: {  	s2 =	sld [smem:$0x3FAD]  }
0x29: {  	s4 =	sld [smem:$0x3FAF]  }
0x2a: {  	p0 =	seq.s32 s5, $0x0;
	s5 =	sld [smem:$0x3FB0]  }
0x2b: {  	s6 =	sld [smem:$0x3FB1]  }
0x2c: {  	s7 =	sld [smem:$0x3FB2]  }
0x2d: {  	s3 =	simm.s32 $0x108;
	s8 =	sld [smem:$0x3FB3]  }
0x2e: {  	s3 =	simm.s32 @!p0 $0x1082;
	s9 =	sld [smem:$0x3FB4]  }
0x2f: {  	lr =	sadd.s32 s0, s3;
	s0 =	sld [smem:$0x3FAB]  }
0x30: {  	s3 =	sld [smem:$0x3FAE]  }
0x31: {  	[smem:$0x3FB7] =	sst s10  }
0x32: {  	s10 =	sld [smem:$0x3FB5];
	_ =	sdelay $0x3  }
0x33: {  	p0 =	seq.s32 s10, $0x1;
	s10 =	sld [smem:$0x3FB7];
	_ =	sdelay $0x3  }
0x34: {  	[smem:$0x3FB7] =	sst s10  }
0x35: {  	s10 =	sld [smem:$0x3FB6];
	_ =	sdelay $0x3  }
0x36: {  	p1 =	seq.s32 s10, $0x1;
	s10 =	sld [smem:$0x3FB7];
	_ =	sdelay $0x3  }
0x37: {  	[smem:$0x3FB7] =	sst s10  }
0x38: {  	s10 =	sld [smem:$0x3FB8]  }
0x39: {  	_ = 	snop;
	(pc) =	sbr.ind lr, $3  }
0x3a: {  	_ = 	snop  }
0x3b: {  	_ = 	snop  }
0x3c: {  	p2 =	seq.s32 s10, $0x1;
	s10 =	sld [smem:$0x3FB7]  }
0x3d: {  	_ =	shalt  }
0x3e: {  	_ =	shalt  }
0x3f: {  	_ =	shalt  }
0x40: {  	_ =	shalt  }
0x41: {  	_ =	shalt  }
0x42: {  	_ =	shalt  }
0x43: {  	_ =	shalt  }
0x44: {  	_ =	shalt  }
0x45: {  	_ =	shalt  }
0x46: {  	_ =	shalt  }
0x47: {  	_ =	shalt  }
0x48: {  	_ =	shalt  }
0x49: {  	_ =	shalt  }
0x4a: {  	_ =	shalt  }
0x4b: {  	_ =	shalt  }
0x4c: {  	_ =	shalt  }
0x4d: {  	_ =	shalt  }
0x4e: {  	_ =	shalt  }
0x4f: {  	_ =	shalt  }
0x50: {  	_ =	shalt  }
0x51: {  	_ =	shalt  }
0x52: {  	_ =	shalt  }
0x53: {  	_ =	shalt  }
0x54: {  	_ =	shalt  }
0x55: {  	_ =	shalt  }
0x56: {  	_ =	shalt  }
0x57: {  	_ =	shalt  }
0x58: {  	_ =	shalt  }
0x59: {  	_ =	shalt  }
0x5a: {  	_ =	shalt  }
0x5b: {  	_ =	shalt  }
0x5c: {  	_ =	shalt  }
0x5d: {  	_ =	shalt  }
0x5e: {  	_ =	shalt  }
0x5f: {  	_ =	shalt  }
0x60: {  	_ =	shalt  }
0x61: {  	_ =	shalt  }
0x62: {  	_ =	shalt  }
0x63: {  	_ =	shalt  }
0x64: {  	_ =	shalt  }
0x65: {  	_ =	shalt  }
0x66: {  	_ =	shalt  }
0x67: {  	_ =	shalt  }
0x68: {  	_ =	shalt  }
0x69: {  	_ =	shalt  }
0x6a: {  	_ =	shalt  }
0x6b: {  	_ =	shalt  }
0x6c: {  	_ =	shalt  }
0x6d: {  	_ =	shalt  }
0x6e: {  	_ =	shalt  }
0x6f: {  	_ =	shalt  }
0x70: {  	_ =	shalt  }
0x71: {  	_ =	shalt  }
0x72: {  	_ =	shalt  }
0x73: {  	_ =	shalt  }
0x74: {  	_ =	shalt  }
0x75: {  	_ =	shalt  }
0x76: {  	_ =	shalt  }
0x77: {  	_ =	shalt  }
0x78: {  	_ =	shalt  }
0x79: {  	_ =	shalt  }
0x7a: {  	_ =	shalt  }
0x7b: {  	_ =	shalt  }
0x7c: {  	_ =	shalt  }
0x7d: {  	_ =	shalt  }
0x7e: {  	_ =	shalt  }
0x7f: {  	_ =	shalt  }
0x80: {  	_ =	shalt  }
0x81: {  	_ =	shalt  }
0x82: {  	_ =	shalt  }
0x83: {  	_ =	shalt  }
0x84: {  	_ =	shalt  }
0x85: {  	_ =	shalt  }
0x86: {  	_ =	shalt  }
0x87: {  	_ =	shalt  }
.Lfunc_end0:
.L_simem_size_0:
called_computation_lowered:
.L_overlay_start_0:
0x88: {  	s2 =	sld [smem:$0x3FD9]  }
0x89: {  	s3 =	sld [smem:$0x3FFE];
	_ =	sdelay $0x1  }
0x8a: {  	s1 =	srdreg.scid  }
0x8b: {  	s0 =	sand.u32 $0x1, s1  }
0x8c: {  	s17 =	sshll.u32 s0, $0xA;
	s2 =	sadd.s32 s3, s2  }
0x8d: {  	s2 =	sadd.s32 s2, s17  }
0x8e: {  	[smem:$0x3FC3] =	sst s2  }
0x8f: {  	_ = 	snop  }
0x90: {  	s2 =	sld [smem:$0x3FD0];
	(tm) =	ssettm $0x1  }
0x91: {  	s18 =	sld [smem:$0x3FFB];
	_ =	sdelay $0x3  }
0x92: {  	_ =	strace s18  }
0x93: {  	s3 =	sld [smem:$0x3FFC];
	_ =	sdelay $0x3  }
0x94: {  	_ =	strace s3  }
0x95: {  	s3 =	sld [smem:$0x3FFD];
	_ =	sdelay $0x3  }
0x96: {  	_ =	strace s3  }
0x97: {  	_ =	strace $0x8FFFFFFF  }
0x98: {  	s19 =	sld [smem:$0x3FDB];
	_ =	sdelay $0x1  }
0x99: {  	s4 =	simm.s32 $_scs_section_size  }
0x9a: {  	s5 =	simm.s32 $_size__tile_overlayer_lowered;
	s6 =	simm.s32 $_tile_overlayer_lowered  }
0x9b: {  	s22 =	simm.s32 $0x1BFF;
	s21 =	sshll.u32 s6, $0x1;
	s3 =	sadd.s32 s4, s19  }
0x9c: {  	s7 =	simm.s32 $0x0;
	s20 =	sshll.u32 s5, $0x1;
	s5 =	sadd.s32 s21, s3  }
0x9d: {  	[timem:s7], [sflag:s22] =	dma.local [hbm:s5], s20  }
0x9e: {  	_ =	swait.ge [sflag:s22], s20  }
0x9f: {  	s4 =	ssub.s32 $0x0, s20;
	[sflag:s22] =	ssyncset.done $0x0  }
0xa0: {  	[sflag:s22] =	ssyncadd.s32 s4;
	_ =	sdelay $0x1  }
0xa1: {  	s23 =	simm.s32 $0x1B8B  }
0xa2: {  	_ =	swait.ge [sflag:s23], $0x1  }
0xa3: {  	[sflag:s23] =	ssyncset.done $0x0  }
0xa4: {  	s25 =	simm.s32 $0x1B8E;
	s24 =	sld [smem:$0x3FFE];
	[sflag:s23] =	ssyncadd.s32 $0xFFFFFFFF  }
0xa5: {  	s26 =	simm.s32 $execute0_lowered;
	[smem:$0x3FD2] =	sst s25  }
0xa6: {  	s5 =	sshll.u32 s26, $0x1;
	_ =	strace $0x80000046;
	[dreg:$0x1] =	wrdreg $0xFFFFFFFF  }
0xa7: {  	s28 =	simm.s32 $_size_execute0_lowered;
	s3 =	sadd.s32 s3, s5;
	[dreg:$0x0] =	wrdreg $0x0  }
0xa8: {  	s5 =	sshll.u32 s28, $0x1;
	[dreg:$0x2] =	wrdreg s3  }
0xa9: {  	[dreg:$0x3] =	wrdreg s5  }
0xaa: {  	[dreg:$0x4] =	wrdreg $0xC0  }
0xab: {  	_ =	task [dreg:s7], $0x5FFFF  }
0xac: {  	[dreg:$0x1] =	wrdreg $0xFFFFFFFF  }
0xad: {  	[dreg:$0x0] =	wrdreg $0x60  }
0xae: {  	[dreg:$0x2] =	wrdreg s2  }
0xaf: {  	[dreg:$0x3] =	wrdreg s24  }
0xb0: {  	[dreg:$0x4] =	wrdreg $0x9  }
0xb1: {  	_ =	task.clear_ibuf [dreg:s7], $0x5FFFF;
	_ =	strace $0x90000046  }
0xb2: {  	s29 =	simm.s32 $0x9;
	_ =	strace $0x80000048  }
0xb3: {  	_ =	swait.ge [sflag:s29], $0x1  }
0xb4: {  	[sflag:s29] =	ssyncadd.s32 $0xFFFFFFFF  }
0xb5: {  	_ =	strace $0x90000048  }
0xb6: {  	_ =	sfence  }
0xb7: {  	s30 =	sld [smem:$0x0];
	_ =	sdelay $0x2  }
0xb8: {  	s31 =	sshll.u32 s1, $0xD;
	s1 =	sshrl.u32 s1, $0x2  }
0xb9: {  	s3 =	sand.u32 $0x4000, s31;
	s1 =	sadd.s32 s1, s30  }
0xba: {  	s0 =	sor.u32 s3, s0;
	s1 =	sshll.u32 s1, $0x11  }
0xbb: {  	s0 =	sor.u32 s1, s0  }
0xbc: {  	s0 =	sadd.s32 $0x8F2B, s0  }
0xbd: {  	[sflag:s0] =	ssyncadd.remote.s32 $0x1  }
0xbe: {  	_ =	sfence.sel $0xFFFF  }
0xbf: {  	[dreg:$0x0] =	wrdreg $0xFFFFFFFF;
	(pc) =	sbr.abs _section_cstart, $3  }
0xc0: {  	[dreg:$0x1] =	wrdreg $0xFFFFFFFF  }
0xc1: {  	_ =	task.clear_ibuf [dreg:s7], $0x2FFFF;
	_ =	strace $0x9FFFFFFF  }
0xc2: {  	(tm) =	ssettm $0x7FFFFFFF  }
0xc3: {  	_ =	shalt  }
tec
execute0_lowered:
.L_overlay_start_1:
0x0: {  	(tag) =	ssettag $0x1  }
0x1: {  	s1 =	srdreg.scid  }
0x2: {  	s0 =	stileid.u32;
	s30 =	sand.u32 $0x1, s1  }
0x3: {  	s26 =	sshll.u32 s0, $0xB;
	s3 =	sshll.u32 s30, $0xA  }
0x4: {  	s2 =	rddreg [dreg:$0x0];
	s24 =	sor.u32 s3, s26  }
0x5: {  	s23 =	rddreg [dreg:$0x1];
	s3 =	simm.s32 $0x0;
	s4 =	sshrl.u32 s24, $0x3  }
0x6: {  	[smem:$0x7FF] =	sst s3;
	s4 =	sadd.s32 s4, s23  }
0x7: {  	s5 =	simm.s32 $0x5;
	_ =	strace $0x80000047;
	s4 =	sadd.s32 $0x800, s4  }
0x8: {  	[tilespmem:s3], [sflag:$0x5] =	stream.linear.gather [hbm4b:s4+s3], $0x400, $0x38;
	[tilespmem:$0x1C400] =	vst v63  }
0x9: {  	_ =	swait.ge [sflag:s5], $0x400  }
0xa: {  	[sflag:s5] =	ssyncset.done $0x0  }
0xb: {  	s6 =	simm.s32 $0x80;
	s7 =	simm.s32 $0x400;
	[sflag:s5] =	ssyncadd.s32 $0xFFFFFC00  }
0xc: {  	[tilespmem:s7], [sflag:$0x1] =	stream.indirect.gather [hbm4b:s2+s6], $0x80, s3, s6, $0xb8;
	[tilespmem:$0x1C400] =	vst v63  }
0xd: {  	s8 =	simm.s32 $0x4400  }
0xe: {  	[tilespmem:s8], [sflag:$0x1] =	stream.indirect.gather [hbm4b:s2+s6], $0x80, s6, s6, $0xb8;
	[tilespmem:$0x1C400] =	vst v63  }
0xf: {  	s9 =	simm.s32 $0x100;
	s10 =	simm.s32 $0x8400  }
0x10: {  	[tilespmem:s10], [sflag:$0x1] =	stream.indirect.gather [hbm4b:s2+s6], $0x80, s9, s6, $0xb8;
	[tilespmem:$0x1C400] =	vst v63  }
0x11: {  	s11 =	simm.s32 $0x40;
	s12 =	simm.s32 $0x180;
	s13 =	simm.s32 $0xC400  }
0x12: {  	[tilespmem:s13], [sflag:$0x1] =	stream.indirect.gather [hbm4b:s2+s11], $0x80, s12, s11, $0xb8;
	[tilespmem:$0x1C400] =	vst v63  }
0x13: {  	s14 =	simm.s32 $0x1C0;
	s15 =	simm.s32 $0xE400  }
0x14: {  	[tilespmem:s15], [sflag:$0x2] =	stream.indirect.gather [hbm4b:s2+s6], $0x80, s14, s6, $0xb8;
	[tilespmem:$0x1C400] =	vst v63  }
0x15: {  	s16 =	simm.s32 $0x240;
	s17 =	simm.s32 $0x12400  }
0x16: {  	[tilespmem:s17], [sflag:$0x2] =	stream.indirect.gather [hbm4b:s2+s6], $0x80, s16, s6, $0xb8;
	[tilespmem:$0x1C400] =	vst v63  }
0x17: {  	s18 =	simm.s32 $0x2C0;
	s19 =	simm.s32 $0x16400  }
0x18: {  	[tilespmem:s19], [sflag:$0x2] =	stream.indirect.gather [hbm4b:s2+s6], $0x80, s18, s6, $0xb8;
	[tilespmem:$0x1C400] =	vst v63  }
0x19: {  	s20 =	simm.s32 $0x340;
	s21 =	simm.s32 $0x1A400;
	s22 =	simm.s32 $0x1  }
0x1a: {  	[tilespmem:s21], [sflag:$0x2] =	stream.indirect.gather [hbm4b:s2+s11], $0x80, s20, s11, $0xb8;
	[tilespmem:$0x1C400] =	vst v63  }
0x1b: {  	_ =	swait.ge [sflag:s22], $0x4000  }
0x1c: {  	[sflag:s22] =	ssyncset.done $0x0  }
0x1d: {  	[sflag:s22] =	ssyncadd.s32 $0xFFFFC000  }
0x1e: {  	_ =	swait.ge [sflag:s22], $0x4000  }
0x1f: {  	[sflag:s22] =	ssyncset.done $0x0  }
0x20: {  	[sflag:s22] =	ssyncadd.s32 $0xFFFFC000  }
0x21: {  	_ =	swait.ge [sflag:s22], $0x4000  }
0x22: {  	[sflag:s22] =	ssyncset.done $0x0  }
0x23: {  	[sflag:s22] =	ssyncadd.s32 $0xFFFFC000  }
0x24: {  	s24 =	sshll.u32 s24, $0x4;
	_ =	swait.ge [sflag:s22], $0x2000  }
0x25: {  	s29 =	sadd.s32 s24, s23;
	[sflag:s22] =	ssyncset.done $0x0  }
0x26: {  	s24 =	simm.s32 $0x3;
	s23 =	sadd.s32 $0x1800, s29;
	[sflag:s22] =	ssyncadd.s32 $0xFFFFE000  }
0x27: {  	[hbm4b:s23+s3] =	stream.linear.scatter [tilespmem:s7], [sflag:$0x3], $0xE000, $0x38;
	[tilespmem:$0x1C400] =	vst v63  }
0x28: {  	_ =	swait.ge [sflag:s24], $0xE000  }
0x29: {  	[sflag:s24] =	ssyncset.done $0x0  }
0x2a: {  	s25 =	simm.s32 $0x380;
	s26 =	simm.s32 $0x2;
	[sflag:s24] =	ssyncadd.s32 $0xFFFF2000  }
0x2b: {  	[tilespmem:s7], [sflag:$0x1] =	stream.indirect.gather [hbm4b:s2+s6], $0x80, s25, s6, $0xb8;
	[tilespmem:$0x1C400] =	vst v63  }
0x2c: {  	_ =	swait.ge [sflag:s26], $0x4000  }
0x2d: {  	[sflag:s26] =	ssyncset.done $0x0  }
0x2e: {  	[sflag:s26] =	ssyncadd.s32 $0xFFFFC000  }
0x2f: {  	_ =	swait.ge [sflag:s26], $0x4000  }
0x30: {  	[sflag:s26] =	ssyncset.done $0x0  }
0x31: {  	[sflag:s26] =	ssyncadd.s32 $0xFFFFC000  }
0x32: {  	_ =	swait.ge [sflag:s26], $0x4000  }
0x33: {  	[sflag:s26] =	ssyncset.done $0x0  }
0x34: {  	[sflag:s26] =	ssyncadd.s32 $0xFFFFC000  }
0x35: {  	_ =	swait.ge [sflag:s26], $0x2000  }
0x36: {  	s31 =	ssub.s32 $0x2, s30;
	[sflag:s26] =	ssyncset.done $0x0  }
0x37: {  	s1 =	sshrl.u32 s31, $0x1;
	s28 =	sadd.s32 $0x3400, s29;
	[sflag:s26] =	ssyncadd.s32 $0xFFFFE000  }
0x38: {  	[hbm4b:s28+s3] =	stream.linear.scatter [tilespmem:s15], [sflag:$0x4], $0xE000, $0x38;
	[tilespmem:$0x1C400] =	vst v63  }
0x39: {  	s1 =	ssub.s32 s31, s1;
	_ =	swait.ge [sflag:s22], $0x4000  }
0x3a: {  	s30 =	simm.s32 $0x4;
	s1 =	smax.u32 s1, $0x1;
	[sflag:s22] =	ssyncset.done $0x0  }
0x3b: {  	s29 =	sadd.s32 $0x5000, s29;
	p0 =	sne.s32 s1, $0x1;
	[sflag:s22] =	ssyncadd.s32 $0xFFFFC000  }
0x3c: {  	[hbm4b:s29+s3] =	stream.linear.scatter [tilespmem:s7], [sflag:$0x3], $0x4000, $0x38;
	[tilespmem:$0x1C400] =	vst v63  }
.Ltmp0:
0x3d: {  	_ =	swait.ge [sflag:s30], $0xE000;
	(pc) =	sbr.rel @!p0 .LBB2_2-.Ltmp0, $4  }
0x3e: {  	[sflag:s30] =	ssyncset.done $0x0  }
0x3f: {  	[sflag:s30] =	ssyncadd.s32 $0xFFFF2000  }
0x40: {  	_ =	swait.ge [sflag:s24], $0x4000  }
0x41: {  	s31 =	sadd.s32 $0xFFFFFFFF, s1;
	[sflag:s24] =	ssyncset.done $0x0  }
.LBB2_1:
0x42: {  	p0 =	sne.s32 s31, $0x1;
	s31 =	sadd.s32 $0xFFFFFFFF, s31;
	[sflag:s24] =	ssyncadd.s32 $0xFFFFC000  }
0x43: {  	[tilespmem:s3], [sflag:$0x5] =	stream.linear.gather [hbm4b:s4+s3], $0x400, $0x38;
	[tilespmem:$0x1C400] =	vst v63  }
0x44: {  	_ =	swait.ge [sflag:s5], $0x400  }
0x45: {  	[sflag:s5] =	ssyncset.done $0x0  }
0x46: {  	[sflag:s5] =	ssyncadd.s32 $0xFFFFFC00  }
0x47: {  	[tilespmem:s7], [sflag:$0x1] =	stream.indirect.gather [hbm4b:s2+s6], $0x80, s3, s6, $0xb8;
	[tilespmem:$0x1C400] =	vst v63  }
0x48: {  	_ = 	snop  }
0x49: {  	[tilespmem:s8], [sflag:$0x1] =	stream.indirect.gather [hbm4b:s2+s6], $0x80, s6, s6, $0xb8;
	[tilespmem:$0x1C400] =	vst v63  }
0x4a: {  	_ = 	snop  }
0x4b: {  	[tilespmem:s10], [sflag:$0x1] =	stream.indirect.gather [hbm4b:s2+s6], $0x80, s9, s6, $0xb8;
	[tilespmem:$0x1C400] =	vst v63  }
0x4c: {  	_ = 	snop  }
0x4d: {  	[tilespmem:s13], [sflag:$0x1] =	stream.indirect.gather [hbm4b:s2+s11], $0x80, s12, s11, $0xb8;
	[tilespmem:$0x1C400] =	vst v63  }
0x4e: {  	_ = 	snop  }
0x4f: {  	[tilespmem:s15], [sflag:$0x2] =	stream.indirect.gather [hbm4b:s2+s6], $0x80, s14, s6, $0xb8;
	[tilespmem:$0x1C400] =	vst v63  }
0x50: {  	_ = 	snop  }
0x51: {  	[tilespmem:s17], [sflag:$0x2] =	stream.indirect.gather [hbm4b:s2+s6], $0x80, s16, s6, $0xb8;
	[tilespmem:$0x1C400] =	vst v63  }
0x52: {  	_ = 	snop  }
0x53: {  	[tilespmem:s19], [sflag:$0x2] =	stream.indirect.gather [hbm4b:s2+s6], $0x80, s18, s6, $0xb8;
	[tilespmem:$0x1C400] =	vst v63  }
0x54: {  	_ = 	snop  }
0x55: {  	[tilespmem:s21], [sflag:$0x2] =	stream.indirect.gather [hbm4b:s2+s11], $0x80, s20, s11, $0xb8;
	[tilespmem:$0x1C400] =	vst v63  }
0x56: {  	_ =	swait.ge [sflag:s22], $0x4000  }
0x57: {  	[sflag:s22] =	ssyncset.done $0x0  }
0x58: {  	[sflag:s22] =	ssyncadd.s32 $0xFFFFC000  }
0x59: {  	_ =	swait.ge [sflag:s22], $0x4000  }
0x5a: {  	[sflag:s22] =	ssyncset.done $0x0  }
0x5b: {  	[sflag:s22] =	ssyncadd.s32 $0xFFFFC000  }
0x5c: {  	_ =	swait.ge [sflag:s22], $0x4000  }
0x5d: {  	[sflag:s22] =	ssyncset.done $0x0  }
0x5e: {  	[sflag:s22] =	ssyncadd.s32 $0xFFFFC000  }
0x5f: {  	_ =	swait.ge [sflag:s22], $0x2000  }
0x60: {  	[sflag:s22] =	ssyncset.done $0x0  }
0x61: {  	[sflag:s22] =	ssyncadd.s32 $0xFFFFE000  }
0x62: {  	[hbm4b:s23+s3] =	stream.linear.scatter [tilespmem:s7], [sflag:$0x3], $0xE000, $0x38;
	[tilespmem:$0x1C400] =	vst v63  }
0x63: {  	_ =	swait.ge [sflag:s24], $0xE000  }
0x64: {  	[sflag:s24] =	ssyncset.done $0x0  }
0x65: {  	[sflag:s24] =	ssyncadd.s32 $0xFFFF2000  }
0x66: {  	[tilespmem:s7], [sflag:$0x1] =	stream.indirect.gather [hbm4b:s2+s6], $0x80, s25, s6, $0xb8;
	[tilespmem:$0x1C400] =	vst v63  }
0x67: {  	_ =	swait.ge [sflag:s26], $0x4000  }
0x68: {  	[sflag:s26] =	ssyncset.done $0x0  }
0x69: {  	[sflag:s26] =	ssyncadd.s32 $0xFFFFC000  }
0x6a: {  	_ =	swait.ge [sflag:s26], $0x4000  }
0x6b: {  	[sflag:s26] =	ssyncset.done $0x0  }
0x6c: {  	[sflag:s26] =	ssyncadd.s32 $0xFFFFC000  }
0x6d: {  	_ =	swait.ge [sflag:s26], $0x4000  }
0x6e: {  	[sflag:s26] =	ssyncset.done $0x0  }
0x6f: {  	[sflag:s26] =	ssyncadd.s32 $0xFFFFC000  }
0x70: {  	_ =	swait.ge [sflag:s26], $0x2000  }
0x71: {  	[sflag:s26] =	ssyncset.done $0x0  }
0x72: {  	[sflag:s26] =	ssyncadd.s32 $0xFFFFE000  }
0x73: {  	[hbm4b:s28+s3] =	stream.linear.scatter [tilespmem:s15], [sflag:$0x4], $0xE000, $0x38;
	[tilespmem:$0x1C400] =	vst v63  }
0x74: {  	_ =	swait.ge [sflag:s22], $0x4000  }
0x75: {  	[sflag:s22] =	ssyncset.done $0x0  }
0x76: {  	[sflag:s22] =	ssyncadd.s32 $0xFFFFC000  }
0x77: {  	[hbm4b:s29+s3] =	stream.linear.scatter [tilespmem:s7], [sflag:$0x3], $0x4000, $0x38;
	[tilespmem:$0x1C400] =	vst v63  }
.Ltmp1:
0x78: {  	_ =	swait.ge [sflag:s30], $0xE000;
	(pc) =	sbr.rel @p0 .LBB2_1-.Ltmp1, $4  }
0x79: {  	[sflag:s30] =	ssyncset.done $0x0  }
0x7a: {  	[sflag:s30] =	ssyncadd.s32 $0xFFFF2000  }
0x7b: {  	_ =	swait.ge [sflag:s24], $0x4000  }
0x7c: {  	[sflag:s24] =	ssyncset.done $0x0  }
.LBB2_2:
0x7d: {  	[sflag:s24] =	ssyncadd.s32 $0xFFFFC000  }
0x7e: {  	_ =	sfence.sel $0x180000  }
0x7f: {  	[bflag:$0x0] =	sbarrier.arrive $0xFFFF  }
0x80: {  	_ =	strace $0x90000047  }
0x81: {  	[bflag:$0x2] =	sbarrier.arrive $0xFFFF  }
0x82: {  	p0 =	sne.s32 s0, $0x0;
	s0 =	rddreg [dreg:$0x2]  }
0x83: {  	s0 =	sadd.s32 @!p0 $0x100000, s0  }
0x84: {  	[sflag:s0] =	ssyncadd.tile.s32 @!p0 $0x1;
	_ =	shalt  }
.Lfunc_end2:
_tile_overlayer_lowered:
.L_overlay_start_2:
0x85: {  	(tag) =	ssettag $0x2  }
0x86: {  	s0 =	rddreg [dreg:$0x0];
	s2 =	stileid.u32  }
0x87: {  	s1 =	rddreg [dreg:$0x1];
	p0 =	sne.s32 s2, $0x0  }
0x88: {  	s3 =	rddreg [dreg:$0x2];
	[bflag:$0x3] =	sbarrier.arrive $0xFFFF;
	s2 =	simm.s32 @!p0 $0x1C05  }
0x89: {  	[timem:s3], [sflag:s2] =	dma.local @!p0 [hbm:s0], s1  }
0x8a: {  	s0 =	simm.s32 @!p0 $0x5  }
0x8b: {  	_ =	swait.ge @!p0 [sflag:s0], s1  }
0x8c: {  	s1 =	ssub.s32 @!p0 $0x0, s1;
	[sflag:s0] =	ssyncset.done @!p0 $0x0  }
0x8d: {  	[sflag:s0] =	ssyncadd.s32 @!p0 s1  }
0x8e: {  	[bflag:$0x3] =	sbarrier.arrive $0xFFFF  }
0x8f: {  	_ =	shalt  }

</sc_bundles>
